<compile_context>
chip_gen: v7x
topology: tpu7x:2x2x1
jax: 0.10.2.dev20260603
libtpu: 0.0.44.dev20260713+nightly
codegen_flags: <defaults>
</compile_context>

<pallas_src>
import functools

import jax
import jax.numpy as jnp
from jax import lax
from jax.experimental import pallas as pl
from jax.experimental.pallas import tpu as pltpu
from jax.experimental.pallas import tpu_sc as plsc

_BATCH = 16384
_DIM = 32
_NUM_CORES = 2
_NUM_SUBCORES = 16
_NW = _NUM_CORES * _NUM_SUBCORES
_BPW = _BATCH // _NW
_IDX_CHUNK = 128
_NCHUNK = _BPW // _IDX_CHUNK

_mesh = plsc.VectorSubcoreMesh(core_axis_name="c", subcore_axis_name="s")


@functools.partial(
    pl.kernel,
    mesh=_mesh,
    out_type=jax.ShapeDtypeStruct((_BATCH,), jnp.float32),
    compiler_params=pltpu.CompilerParams(
        needs_layout_passes=False, use_tc_tiling_on_sc=False),
    scratch_types=[
        pltpu.VMEM((_BPW,), jnp.int32),
        pltpu.VMEM((_BPW,), jnp.int32),
        pltpu.VMEM((_BPW,), jnp.int32),
        pltpu.VMEM((_BPW, _DIM), jnp.float32),
        pltpu.VMEM((_BPW, _DIM), jnp.float32),
        pltpu.VMEM((_BPW, _DIM), jnp.float32),
        pltpu.VMEM((_BPW,), jnp.float32),
        pltpu.SemaphoreType.DMA,
    ],
)
def _distmult_sc(tuples_hbm, node_hbm, rela_hbm, out_hbm,
                 hidx, tidx, ridx, hrows, trows, rrows, outv, sem):
    wid = lax.axis_index("s") * _NUM_CORES + lax.axis_index("c")
    base = wid * _BPW

    pltpu.sync_copy(tuples_hbm.at[pl.ds(base, _BPW)], hidx)
    pltpu.sync_copy(tuples_hbm.at[pl.ds(_BATCH + base, _BPW)], tidx)
    pltpu.sync_copy(tuples_hbm.at[pl.ds(2 * _BATCH + base, _BPW)], ridx)

    copies = []
    for j in range(_NCHUNK):
        s = pl.ds(j * _IDX_CHUNK, _IDX_CHUNK)
        copies.append(pltpu.async_copy(node_hbm.at[hidx.at[s]], hrows.at[s], sem))
        copies.append(pltpu.async_copy(node_hbm.at[tidx.at[s]], trows.at[s], sem))
        copies.append(pltpu.async_copy(rela_hbm.at[ridx.at[s]], rrows.at[s], sem))
    for c in copies:
        c.wait()

    def chunk_body(c, carry):
        rows = c * 16 + lax.iota(jnp.int32, 16)

        def d_body(d, acc):
            cols = jnp.full((16,), d, jnp.int32)
            hv = plsc.load_gather(hrows, [rows, cols])
            tv = plsc.load_gather(trows, [rows, cols])
            rv = plsc.load_gather(rrows, [rows, cols])
            return acc + hv * rv * tv

        acc = lax.fori_loop(0, _DIM, d_body, jnp.zeros((16,), jnp.float32))
        outv[pl.ds(c * 16, 16)] = acc
        return carry

    lax.fori_loop(0, _BPW // 16, chunk_body, 0)

    pltpu.sync_copy(outv, out_hbm.at[pl.ds(base, _BPW)])


def kernel(tuples, node_emb, rela_emb):
    return _distmult_sc(tuples.reshape(-1), node_emb, rela_emb)

# --- scband reference (transcript-rebuilt; emitter-appended) ---
"""Pipeline reference for scband-rela-dist-mult-model-10806137716980 (READ-ONLY COPY).

The authoritative reference and input builder live on the scoring server;
editing this copy changes nothing except your own understanding.
"""

import jax, jax.numpy as jnp
import numpy as np

NODE_VOCAB = 1000000
RELA_VOCAB = 1000000
EMBED_DIM = 32
BATCH = 16384


def _xavier_uniform(key, shape):
    fan_in, fan_out = shape[1], shape[0]
    limit = float(np.sqrt(6.0 / (fan_in + fan_out)))
    return jax.random.uniform(key, shape, dtype=jnp.float32, minval=-limit, maxval=limit)


def setup_inputs(seed: int = 0) -> dict:
    key = jax.random.key(seed)
    k1, k2, k3 = jax.random.split(key, 3)
    tuples = jax.random.randint(k1, (3, BATCH), 0, NODE_VOCAB, dtype=jnp.int32)
    node_emb = _xavier_uniform(k2, (NODE_VOCAB, EMBED_DIM))
    rela_emb = _xavier_uniform(k3, (RELA_VOCAB, EMBED_DIM))
    return {"tuples": tuples, "node_emb": node_emb, "rela_emb": rela_emb}


def reference(tuples, node_emb, rela_emb):
    # DistMult scoring: sum(h * r * t) per triple
    heads = jnp.take(node_emb, tuples[0], axis=0)
    tails = jnp.take(node_emb, tuples[1], axis=0)
    relas = jnp.take(rela_emb, tuples[2], axis=0)
    scores = jnp.sum(heads * relas * tails, axis=-1)
    return scores

if __name__ == "__main__":
    import jax
    _d = setup_inputs()
    print(jax.jit(kernel)(*tuple(_d.values())))

</pallas_src>

<mosaic_0001>
#map = affine_map<(d0, d1) -> (0)>
#map1 = affine_map<(d0, d1) -> (0, 0)>
module attributes {stable_mosaic.version = 14 : i64} {
  func.func @_distmult_sc(%arg0: i32, %arg1: i32, %arg2: memref<49152xi32, #tpu.memory_space<hbm>>, %arg3: memref<1000000x32xf32, #tpu.memory_space<hbm>>, %arg4: memref<1000000x32xf32, #tpu.memory_space<hbm>>, %arg5: memref<16384xf32, #tpu.memory_space<hbm>>, %arg6: memref<512xi32, #tpu.memory_space<vmem>>, %arg7: memref<512xi32, #tpu.memory_space<vmem>>, %arg8: memref<512xi32, #tpu.memory_space<vmem>>, %arg9: memref<512x32xf32, #tpu.memory_space<vmem>>, %arg10: memref<512x32xf32, #tpu.memory_space<vmem>>, %arg11: memref<512x32xf32, #tpu.memory_space<vmem>>, %arg12: memref<512xf32, #tpu.memory_space<vmem>>, %arg13: memref<!tpu.dma_semaphore, #tpu.memory_space<semaphore_mem>>) attributes {dimension_semantics = [#tpu.dimension_semantics<core_parallel>, #tpu.dimension_semantics<subcore_parallel>], iteration_bounds = array<i64: 2, 16>, scalar_prefetch = 0 : i64, scratch_operands = 8 : i64, tpu.core_type = #tpu.core_type<sc_vector_subcore>, window_params = [{transform_indices = #map}, {transform_indices = #map1}, {transform_indices = #map1}, {transform_indices = #map}]} {
    %mul3A = arith.constant 2 : i32
    %mul3A_0 = arith.muli %arg1, %mul3A : i32
    %add3A = arith.addi %mul3A_0, %arg0 : i32
    %mul3A_1 = arith.constant 512 : i32
    %mul3A_2 = arith.muli %add3A, %mul3A_1 : i32
    "tpu.region"() ({
      %run_scoped3A = tpu.sem_alloc : memref<!tpu.dma_semaphore, #tpu.memory_space<semaphore_mem>>
      %dma_start3A_202 = tpu.memref_slice %arg2[%mul3A_2] : memref<49152xi32, #tpu.memory_space<hbm>> -> memref<512xi32, #tpu.memory_space<hbm>>
      %dma_start3A_203 = tpu.memref_slice %arg2[%mul3A_2] : memref<49152xi32, #tpu.memory_space<hbm>> -> memref<512xi32, #tpu.memory_space<hbm>>
      tpu.enqueue_dma source(%dma_start3A_203 : memref<512xi32, #tpu.memory_space<hbm>>) target(%arg6 : memref<512xi32, #tpu.memory_space<vmem>>) target_semaphore(%run_scoped3A : memref<!tpu.dma_semaphore, #tpu.memory_space<semaphore_mem>>)
      %dma_wait3A_204 = tpu.memref_slice %arg2[%mul3A_2] : memref<49152xi32, #tpu.memory_space<hbm>> -> memref<512xi32, #tpu.memory_space<hbm>>
      %dma_wait3A_205 = tpu.memref_slice %arg2[%mul3A_2] : memref<49152xi32, #tpu.memory_space<hbm>> -> memref<512xi32, #tpu.memory_space<hbm>>
      tpu.wait_dma2 semaphore(%run_scoped3A : memref<!tpu.dma_semaphore, #tpu.memory_space<semaphore_mem>>) src(%dma_wait3A_205 : memref<512xi32, #tpu.memory_space<hbm>>) dst(%arg6 : memref<512xi32, #tpu.memory_space<vmem>>)
      tpu.yield
    }) : () -> ()
    %add3A_3 = arith.constant 16384 : i32
    %add3A_4 = arith.addi %add3A_3, %mul3A_2 : i32
    "tpu.region"() ({
      %run_scoped3A = tpu.sem_alloc : memref<!tpu.dma_semaphore, #tpu.memory_space<semaphore_mem>>
      %dma_start3A_202 = tpu.memref_slice %arg2[%add3A_4] : memref<49152xi32, #tpu.memory_space<hbm>> -> memref<512xi32, #tpu.memory_space<hbm>>
      %dma_start3A_203 = tpu.memref_slice %arg2[%add3A_4] : memref<49152xi32, #tpu.memory_space<hbm>> -> memref<512xi32, #tpu.memory_space<hbm>>
      tpu.enqueue_dma source(%dma_start3A_203 : memref<512xi32, #tpu.memory_space<hbm>>) target(%arg7 : memref<512xi32, #tpu.memory_space<vmem>>) target_semaphore(%run_scoped3A : memref<!tpu.dma_semaphore, #tpu.memory_space<semaphore_mem>>)
      %dma_wait3A_204 = tpu.memref_slice %arg2[%add3A_4] : memref<49152xi32, #tpu.memory_space<hbm>> -> memref<512xi32, #tpu.memory_space<hbm>>
      %dma_wait3A_205 = tpu.memref_slice %arg2[%add3A_4] : memref<49152xi32, #tpu.memory_space<hbm>> -> memref<512xi32, #tpu.memory_space<hbm>>
      tpu.wait_dma2 semaphore(%run_scoped3A : memref<!tpu.dma_semaphore, #tpu.memory_space<semaphore_mem>>) src(%dma_wait3A_205 : memref<512xi32, #tpu.memory_space<hbm>>) dst(%arg7 : memref<512xi32, #tpu.memory_space<vmem>>)
      tpu.yield
    }) : () -> ()
    %add3A_5 = arith.constant 32768 : i32
    %add3A_6 = arith.addi %add3A_5, %mul3A_2 : i32
    "tpu.region"() ({
      %run_scoped3A = tpu.sem_alloc : memref<!tpu.dma_semaphore, #tpu.memory_space<semaphore_mem>>
      %dma_start3A_202 = tpu.memref_slice %arg2[%add3A_6] : memref<49152xi32, #tpu.memory_space<hbm>> -> memref<512xi32, #tpu.memory_space<hbm>>
      %dma_start3A_203 = tpu.memref_slice %arg2[%add3A_6] : memref<49152xi32, #tpu.memory_space<hbm>> -> memref<512xi32, #tpu.memory_space<hbm>>
      tpu.enqueue_dma source(%dma_start3A_203 : memref<512xi32, #tpu.memory_space<hbm>>) target(%arg8 : memref<512xi32, #tpu.memory_space<vmem>>) target_semaphore(%run_scoped3A : memref<!tpu.dma_semaphore, #tpu.memory_space<semaphore_mem>>)
      %dma_wait3A_204 = tpu.memref_slice %arg2[%add3A_6] : memref<49152xi32, #tpu.memory_space<hbm>> -> memref<512xi32, #tpu.memory_space<hbm>>
      %dma_wait3A_205 = tpu.memref_slice %arg2[%add3A_6] : memref<49152xi32, #tpu.memory_space<hbm>> -> memref<512xi32, #tpu.memory_space<hbm>>
      tpu.wait_dma2 semaphore(%run_scoped3A : memref<!tpu.dma_semaphore, #tpu.memory_space<semaphore_mem>>) src(%dma_wait3A_205 : memref<512xi32, #tpu.memory_space<hbm>>) dst(%arg8 : memref<512xi32, #tpu.memory_space<vmem>>)
      tpu.yield
    }) : () -> ()
    %dma_start3A = arith.constant 0 : i32
    %dma_start3A_7 = arith.constant 0 : i32
    %dma_start3A_8 = tpu.memref_slice %arg9[%dma_start3A, %dma_start3A_7] : memref<512x32xf32, #tpu.memory_space<vmem>> -> memref<128x32xf32, #tpu.memory_space<vmem>>
    %dma_start3A_9 = arith.constant 0 : i32
    %dma_start3A_10 = tpu.memref_slice %arg6[%dma_start3A_9] : memref<512xi32, #tpu.memory_space<vmem>> -> memref<128xi32, #tpu.memory_space<vmem>>
    %dma_start3A_11 = arith.constant 0 : i32
    %dma_start3A_12 = arith.constant 0 : i32
    %dma_start3A_13 = tpu.memref_slice %arg3[%dma_start3A_11, %dma_start3A_12] : memref<1000000x32xf32, #tpu.memory_space<hbm>> -> memref<1000000x32xf32, #tpu.memory_space<hbm>>
    tpu.enqueue_indirect_dma source(%dma_start3A_13 : memref<1000000x32xf32, #tpu.memory_space<hbm>>) target(%dma_start3A_8 : memref<128x32xf32, #tpu.memory_space<vmem>>) offsets(%dma_start3A_10 : memref<128xi32, #tpu.memory_space<vmem>>) semaphore(%arg13 : memref<!tpu.dma_semaphore, #tpu.memory_space<semaphore_mem>>)
    %dma_start3A_14 = arith.constant 0 : i32
    %dma_start3A_15 = arith.constant 0 : i32
    %dma_start3A_16 = tpu.memref_slice %arg10[%dma_start3A_14, %dma_start3A_15] : memref<512x32xf32, #tpu.memory_space<vmem>> -> memref<128x32xf32, #tpu.memory_space<vmem>>
    %dma_start3A_17 = arith.constant 0 : i32
    %dma_start3A_18 = tpu.memref_slice %arg7[%dma_start3A_17] : memref<512xi32, #tpu.memory_space<vmem>> -> memref<128xi32, #tpu.memory_space<vmem>>
    %dma_start3A_19 = arith.constant 0 : i32
    %dma_start3A_20 = arith.constant 0 : i32
    %dma_start3A_21 = tpu.memref_slice %arg3[%dma_start3A_19, %dma_start3A_20] : memref<1000000x32xf32, #tpu.memory_space<hbm>> -> memref<1000000x32xf32, #tpu.memory_space<hbm>>
    tpu.enqueue_indirect_dma source(%dma_start3A_21 : memref<1000000x32xf32, #tpu.memory_space<hbm>>) target(%dma_start3A_16 : memref<128x32xf32, #tpu.memory_space<vmem>>) offsets(%dma_start3A_18 : memref<128xi32, #tpu.memory_space<vmem>>) semaphore(%arg13 : memref<!tpu.dma_semaphore, #tpu.memory_space<semaphore_mem>>)
    %dma_start3A_22 = arith.constant 0 : i32
    %dma_start3A_23 = arith.constant 0 : i32
    %dma_start3A_24 = tpu.memref_slice %arg11[%dma_start3A_22, %dma_start3A_23] : memref<512x32xf32, #tpu.memory_space<vmem>> -> memref<128x32xf32, #tpu.memory_space<vmem>>
    %dma_start3A_25 = arith.constant 0 : i32
    %dma_start3A_26 = tpu.memref_slice %arg8[%dma_start3A_25] : memref<512xi32, #tpu.memory_space<vmem>> -> memref<128xi32, #tpu.memory_space<vmem>>
    %dma_start3A_27 = arith.constant 0 : i32
    %dma_start3A_28 = arith.constant 0 : i32
    %dma_start3A_29 = tpu.memref_slice %arg4[%dma_start3A_27, %dma_start3A_28] : memref<1000000x32xf32, #tpu.memory_space<hbm>> -> memref<1000000x32xf32, #tpu.memory_space<hbm>>
    tpu.enqueue_indirect_dma source(%dma_start3A_29 : memref<1000000x32xf32, #tpu.memory_space<hbm>>) target(%dma_start3A_24 : memref<128x32xf32, #tpu.memory_space<vmem>>) offsets(%dma_start3A_26 : memref<128xi32, #tpu.memory_space<vmem>>) semaphore(%arg13 : memref<!tpu.dma_semaphore, #tpu.memory_space<semaphore_mem>>)
    %dma_start3A_30 = arith.constant 128 : i32
    %dma_start3A_31 = arith.constant 0 : i32
    %dma_start3A_32 = tpu.memref_slice %arg9[%dma_start3A_30, %dma_start3A_31] : memref<512x32xf32, #tpu.memory_space<vmem>> -> memref<128x32xf32, #tpu.memory_space<vmem>>
    %dma_start3A_33 = arith.constant 128 : i32
    %dma_start3A_34 = tpu.memref_slice %arg6[%dma_start3A_33] : memref<512xi32, #tpu.memory_space<vmem>> -> memref<128xi32, #tpu.memory_space<vmem>>
    %dma_start3A_35 = arith.constant 0 : i32
    %dma_start3A_36 = arith.constant 0 : i32
    %dma_start3A_37 = tpu.memref_slice %arg3[%dma_start3A_35, %dma_start3A_36] : memref<1000000x32xf32, #tpu.memory_space<hbm>> -> memref<1000000x32xf32, #tpu.memory_space<hbm>>
    tpu.enqueue_indirect_dma source(%dma_start3A_37 : memref<1000000x32xf32, #tpu.memory_space<hbm>>) target(%dma_start3A_32 : memref<128x32xf32, #tpu.memory_space<vmem>>) offsets(%dma_start3A_34 : memref<128xi32, #tpu.memory_space<vmem>>) semaphore(%arg13 : memref<!tpu.dma_semaphore, #tpu.memory_space<semaphore_mem>>)
    %dma_start3A_38 = arith.constant 128 : i32
    %dma_start3A_39 = arith.constant 0 : i32
    %dma_start3A_40 = tpu.memref_slice %arg10[%dma_start3A_38, %dma_start3A_39] : memref<512x32xf32, #tpu.memory_space<vmem>> -> memref<128x32xf32, #tpu.memory_space<vmem>>
    %dma_start3A_41 = arith.constant 128 : i32
    %dma_start3A_42 = tpu.memref_slice %arg7[%dma_start3A_41] : memref<512xi32, #tpu.memory_space<vmem>> -> memref<128xi32, #tpu.memory_space<vmem>>
    %dma_start3A_43 = arith.constant 0 : i32
    %dma_start3A_44 = arith.constant 0 : i32
    %dma_start3A_45 = tpu.memref_slice %arg3[%dma_start3A_43, %dma_start3A_44] : memref<1000000x32xf32, #tpu.memory_space<hbm>> -> memref<1000000x32xf32, #tpu.memory_space<hbm>>
    tpu.enqueue_indirect_dma source(%dma_start3A_45 : memref<1000000x32xf32, #tpu.memory_space<hbm>>) target(%dma_start3A_40 : memref<128x32xf32, #tpu.memory_space<vmem>>) offsets(%dma_start3A_42 : memref<128xi32, #tpu.memory_space<vmem>>) semaphore(%arg13 : memref<!tpu.dma_semaphore, #tpu.memory_space<semaphore_mem>>)
    %dma_start3A_46 = arith.constant 128 : i32
    %dma_start3A_47 = arith.constant 0 : i32
    %dma_start3A_48 = tpu.memref_slice %arg11[%dma_start3A_46, %dma_start3A_47] : memref<512x32xf32, #tpu.memory_space<vmem>> -> memref<128x32xf32, #tpu.memory_space<vmem>>
    %dma_start3A_49 = arith.constant 128 : i32
    %dma_start3A_50 = tpu.memref_slice %arg8[%dma_start3A_49] : memref<512xi32, #tpu.memory_space<vmem>> -> memref<128xi32, #tpu.memory_space<vmem>>
    %dma_start3A_51 = arith.constant 0 : i32
    %dma_start3A_52 = arith.constant 0 : i32
    %dma_start3A_53 = tpu.memref_slice %arg4[%dma_start3A_51, %dma_start3A_52] : memref<1000000x32xf32, #tpu.memory_space<hbm>> -> memref<1000000x32xf32, #tpu.memory_space<hbm>>
    tpu.enqueue_indirect_dma source(%dma_start3A_53 : memref<1000000x32xf32, #tpu.memory_space<hbm>>) target(%dma_start3A_48 : memref<128x32xf32, #tpu.memory_space<vmem>>) offsets(%dma_start3A_50 : memref<128xi32, #tpu.memory_space<vmem>>) semaphore(%arg13 : memref<!tpu.dma_semaphore, #tpu.memory_space<semaphore_mem>>)
    %dma_start3A_54 = arith.constant 256 : i32
    %dma_start3A_55 = arith.constant 0 : i32
    %dma_start3A_56 = tpu.memref_slice %arg9[%dma_start3A_54, %dma_start3A_55] : memref<512x32xf32, #tpu.memory_space<vmem>> -> memref<128x32xf32, #tpu.memory_space<vmem>>
    %dma_start3A_57 = arith.constant 256 : i32
    %dma_start3A_58 = tpu.memref_slice %arg6[%dma_start3A_57] : memref<512xi32, #tpu.memory_space<vmem>> -> memref<128xi32, #tpu.memory_space<vmem>>
    %dma_start3A_59 = arith.constant 0 : i32
    %dma_start3A_60 = arith.constant 0 : i32
    %dma_start3A_61 = tpu.memref_slice %arg3[%dma_start3A_59, %dma_start3A_60] : memref<1000000x32xf32, #tpu.memory_space<hbm>> -> memref<1000000x32xf32, #tpu.memory_space<hbm>>
    tpu.enqueue_indirect_dma source(%dma_start3A_61 : memref<1000000x32xf32, #tpu.memory_space<hbm>>) target(%dma_start3A_56 : memref<128x32xf32, #tpu.memory_space<vmem>>) offsets(%dma_start3A_58 : memref<128xi32, #tpu.memory_space<vmem>>) semaphore(%arg13 : memref<!tpu.dma_semaphore, #tpu.memory_space<semaphore_mem>>)
    %dma_start3A_62 = arith.constant 256 : i32
    %dma_start3A_63 = arith.constant 0 : i32
    %dma_start3A_64 = tpu.memref_slice %arg10[%dma_start3A_62, %dma_start3A_63] : memref<512x32xf32, #tpu.memory_space<vmem>> -> memref<128x32xf32, #tpu.memory_space<vmem>>
    %dma_start3A_65 = arith.constant 256 : i32
    %dma_start3A_66 = tpu.memref_slice %arg7[%dma_start3A_65] : memref<512xi32, #tpu.memory_space<vmem>> -> memref<128xi32, #tpu.memory_space<vmem>>
    %dma_start3A_67 = arith.constant 0 : i32
    %dma_start3A_68 = arith.constant 0 : i32
    %dma_start3A_69 = tpu.memref_slice %arg3[%dma_start3A_67, %dma_start3A_68] : memref<1000000x32xf32, #tpu.memory_space<hbm>> -> memref<1000000x32xf32, #tpu.memory_space<hbm>>
    tpu.enqueue_indirect_dma source(%dma_start3A_69 : memref<1000000x32xf32, #tpu.memory_space<hbm>>) target(%dma_start3A_64 : memref<128x32xf32, #tpu.memory_space<vmem>>) offsets(%dma_start3A_66 : memref<128xi32, #tpu.memory_space<vmem>>) semaphore(%arg13 : memref<!tpu.dma_semaphore, #tpu.memory_space<semaphore_mem>>)
    %dma_start3A_70 = arith.constant 256 : i32
    %dma_start3A_71 = arith.constant 0 : i32
    %dma_start3A_72 = tpu.memref_slice %arg11[%dma_start3A_70, %dma_start3A_71] : memref<512x32xf32, #tpu.memory_space<vmem>> -> memref<128x32xf32, #tpu.memory_space<vmem>>
    %dma_start3A_73 = arith.constant 256 : i32
    %dma_start3A_74 = tpu.memref_slice %arg8[%dma_start3A_73] : memref<512xi32, #tpu.memory_space<vmem>> -> memref<128xi32, #tpu.memory_space<vmem>>
    %dma_start3A_75 = arith.constant 0 : i32
    %dma_start3A_76 = arith.constant 0 : i32
    %dma_start3A_77 = tpu.memref_slice %arg4[%dma_start3A_75, %dma_start3A_76] : memref<1000000x32xf32, #tpu.memory_space<hbm>> -> memref<1000000x32xf32, #tpu.memory_space<hbm>>
    tpu.enqueue_indirect_dma source(%dma_start3A_77 : memref<1000000x32xf32, #tpu.memory_space<hbm>>) target(%dma_start3A_72 : memref<128x32xf32, #tpu.memory_space<vmem>>) offsets(%dma_start3A_74 : memref<128xi32, #tpu.memory_space<vmem>>) semaphore(%arg13 : memref<!tpu.dma_semaphore, #tpu.memory_space<semaphore_mem>>)
    %dma_start3A_78 = arith.constant 384 : i32
    %dma_start3A_79 = arith.constant 0 : i32
    %dma_start3A_80 = tpu.memref_slice %arg9[%dma_start3A_78, %dma_start3A_79] : memref<512x32xf32, #tpu.memory_space<vmem>> -> memref<128x32xf32, #tpu.memory_space<vmem>>
    %dma_start3A_81 = arith.constant 384 : i32
    %dma_start3A_82 = tpu.memref_slice %arg6[%dma_start3A_81] : memref<512xi32, #tpu.memory_space<vmem>> -> memref<128xi32, #tpu.memory_space<vmem>>
    %dma_start3A_83 = arith.constant 0 : i32
    %dma_start3A_84 = arith.constant 0 : i32
    %dma_start3A_85 = tpu.memref_slice %arg3[%dma_start3A_83, %dma_start3A_84] : memref<1000000x32xf32, #tpu.memory_space<hbm>> -> memref<1000000x32xf32, #tpu.memory_space<hbm>>
    tpu.enqueue_indirect_dma source(%dma_start3A_85 : memref<1000000x32xf32, #tpu.memory_space<hbm>>) target(%dma_start3A_80 : memref<128x32xf32, #tpu.memory_space<vmem>>) offsets(%dma_start3A_82 : memref<128xi32, #tpu.memory_space<vmem>>) semaphore(%arg13 : memref<!tpu.dma_semaphore, #tpu.memory_space<semaphore_mem>>)
    %dma_start3A_86 = arith.constant 384 : i32
    %dma_start3A_87 = arith.constant 0 : i32
    %dma_start3A_88 = tpu.memref_slice %arg10[%dma_start3A_86, %dma_start3A_87] : memref<512x32xf32, #tpu.memory_space<vmem>> -> memref<128x32xf32, #tpu.memory_space<vmem>>
    %dma_start3A_89 = arith.constant 384 : i32
    %dma_start3A_90 = tpu.memref_slice %arg7[%dma_start3A_89] : memref<512xi32, #tpu.memory_space<vmem>> -> memref<128xi32, #tpu.memory_space<vmem>>
    %dma_start3A_91 = arith.constant 0 : i32
    %dma_start3A_92 = arith.constant 0 : i32
    %dma_start3A_93 = tpu.memref_slice %arg3[%dma_start3A_91, %dma_start3A_92] : memref<1000000x32xf32, #tpu.memory_space<hbm>> -> memref<1000000x32xf32, #tpu.memory_space<hbm>>
    tpu.enqueue_indirect_dma source(%dma_start3A_93 : memref<1000000x32xf32, #tpu.memory_space<hbm>>) target(%dma_start3A_88 : memref<128x32xf32, #tpu.memory_space<vmem>>) offsets(%dma_start3A_90 : memref<128xi32, #tpu.memory_space<vmem>>) semaphore(%arg13 : memref<!tpu.dma_semaphore, #tpu.memory_space<semaphore_mem>>)
    %dma_start3A_94 = arith.constant 384 : i32
    %dma_start3A_95 = arith.constant 0 : i32
    %dma_start3A_96 = tpu.memref_slice %arg11[%dma_start3A_94, %dma_start3A_95] : memref<512x32xf32, #tpu.memory_space<vmem>> -> memref<128x32xf32, #tpu.memory_space<vmem>>
    %dma_start3A_97 = arith.constant 384 : i32
    %dma_start3A_98 = tpu.memref_slice %arg8[%dma_start3A_97] : memref<512xi32, #tpu.memory_space<vmem>> -> memref<128xi32, #tpu.memory_space<vmem>>
    %dma_start3A_99 = arith.constant 0 : i32
    %dma_start3A_100 = arith.constant 0 : i32
    %dma_start3A_101 = tpu.memref_slice %arg4[%dma_start3A_99, %dma_start3A_100] : memref<1000000x32xf32, #tpu.memory_space<hbm>> -> memref<1000000x32xf32, #tpu.memory_space<hbm>>
    tpu.enqueue_indirect_dma source(%dma_start3A_101 : memref<1000000x32xf32, #tpu.memory_space<hbm>>) target(%dma_start3A_96 : memref<128x32xf32, #tpu.memory_space<vmem>>) offsets(%dma_start3A_98 : memref<128xi32, #tpu.memory_space<vmem>>) semaphore(%arg13 : memref<!tpu.dma_semaphore, #tpu.memory_space<semaphore_mem>>)
    %dma_wait3A = arith.constant 0 : i32
    %dma_wait3A_102 = arith.constant 0 : i32
    %dma_wait3A_103 = tpu.memref_slice %arg9[%dma_wait3A, %dma_wait3A_102] : memref<512x32xf32, #tpu.memory_space<vmem>> -> memref<128x32xf32, #tpu.memory_space<vmem>>
    %dma_wait3A_104 = arith.constant 0 : i32
    %dma_wait3A_105 = tpu.memref_slice %arg6[%dma_wait3A_104] : memref<512xi32, #tpu.memory_space<vmem>> -> memref<128xi32, #tpu.memory_space<vmem>>
    %dma_wait3A_106 = arith.constant 0 : i32
    %dma_wait3A_107 = arith.constant 0 : i32
    %dma_wait3A_108 = tpu.memref_slice %arg3[%dma_wait3A_106, %dma_wait3A_107] : memref<1000000x32xf32, #tpu.memory_space<hbm>> -> memref<1000000x32xf32, #tpu.memory_space<hbm>>
    tpu.wait_indirect_dma semaphore(%arg13 : memref<!tpu.dma_semaphore, #tpu.memory_space<semaphore_mem>>) src(%dma_wait3A_108 : memref<1000000x32xf32, #tpu.memory_space<hbm>>) dst(%dma_wait3A_103 : memref<128x32xf32, #tpu.memory_space<vmem>>)
    %dma_wait3A_109 = arith.constant 0 : i32
    %dma_wait3A_110 = arith.constant 0 : i32
    %dma_wait3A_111 = tpu.memref_slice %arg10[%dma_wait3A_109, %dma_wait3A_110] : memref<512x32xf32, #tpu.memory_space<vmem>> -> memref<128x32xf32, #tpu.memory_space<vmem>>
    %dma_wait3A_112 = arith.constant 0 : i32
    %dma_wait3A_113 = tpu.memref_slice %arg7[%dma_wait3A_112] : memref<512xi32, #tpu.memory_space<vmem>> -> memref<128xi32, #tpu.memory_space<vmem>>
    %dma_wait3A_114 = arith.constant 0 : i32
    %dma_wait3A_115 = arith.constant 0 : i32
    %dma_wait3A_116 = tpu.memref_slice %arg3[%dma_wait3A_114, %dma_wait3A_115] : memref<1000000x32xf32, #tpu.memory_space<hbm>> -> memref<1000000x32xf32, #tpu.memory_space<hbm>>
    tpu.wait_indirect_dma semaphore(%arg13 : memref<!tpu.dma_semaphore, #tpu.memory_space<semaphore_mem>>) src(%dma_wait3A_116 : memref<1000000x32xf32, #tpu.memory_space<hbm>>) dst(%dma_wait3A_111 : memref<128x32xf32, #tpu.memory_space<vmem>>)
    %dma_wait3A_117 = arith.constant 0 : i32
    %dma_wait3A_118 = arith.constant 0 : i32
    %dma_wait3A_119 = tpu.memref_slice %arg11[%dma_wait3A_117, %dma_wait3A_118] : memref<512x32xf32, #tpu.memory_space<vmem>> -> memref<128x32xf32, #tpu.memory_space<vmem>>
    %dma_wait3A_120 = arith.constant 0 : i32
    %dma_wait3A_121 = tpu.memref_slice %arg8[%dma_wait3A_120] : memref<512xi32, #tpu.memory_space<vmem>> -> memref<128xi32, #tpu.memory_space<vmem>>
    %dma_wait3A_122 = arith.constant 0 : i32
    %dma_wait3A_123 = arith.constant 0 : i32
    %dma_wait3A_124 = tpu.memref_slice %arg4[%dma_wait3A_122, %dma_wait3A_123] : memref<1000000x32xf32, #tpu.memory_space<hbm>> -> memref<1000000x32xf32, #tpu.memory_space<hbm>>
    tpu.wait_indirect_dma semaphore(%arg13 : memref<!tpu.dma_semaphore, #tpu.memory_space<semaphore_mem>>) src(%dma_wait3A_124 : memref<1000000x32xf32, #tpu.memory_space<hbm>>) dst(%dma_wait3A_119 : memref<128x32xf32, #tpu.memory_space<vmem>>)
    %dma_wait3A_125 = arith.constant 128 : i32
    %dma_wait3A_126 = arith.constant 0 : i32
    %dma_wait3A_127 = tpu.memref_slice %arg9[%dma_wait3A_125, %dma_wait3A_126] : memref<512x32xf32, #tpu.memory_space<vmem>> -> memref<128x32xf32, #tpu.memory_space<vmem>>
    %dma_wait3A_128 = arith.constant 128 : i32
    %dma_wait3A_129 = tpu.memref_slice %arg6[%dma_wait3A_128] : memref<512xi32, #tpu.memory_space<vmem>> -> memref<128xi32, #tpu.memory_space<vmem>>
    %dma_wait3A_130 = arith.constant 0 : i32
    %dma_wait3A_131 = arith.constant 0 : i32
    %dma_wait3A_132 = tpu.memref_slice %arg3[%dma_wait3A_130, %dma_wait3A_131] : memref<1000000x32xf32, #tpu.memory_space<hbm>> -> memref<1000000x32xf32, #tpu.memory_space<hbm>>
    tpu.wait_indirect_dma semaphore(%arg13 : memref<!tpu.dma_semaphore, #tpu.memory_space<semaphore_mem>>) src(%dma_wait3A_132 : memref<1000000x32xf32, #tpu.memory_space<hbm>>) dst(%dma_wait3A_127 : memref<128x32xf32, #tpu.memory_space<vmem>>)
    %dma_wait3A_133 = arith.constant 128 : i32
    %dma_wait3A_134 = arith.constant 0 : i32
    %dma_wait3A_135 = tpu.memref_slice %arg10[%dma_wait3A_133, %dma_wait3A_134] : memref<512x32xf32, #tpu.memory_space<vmem>> -> memref<128x32xf32, #tpu.memory_space<vmem>>
    %dma_wait3A_136 = arith.constant 128 : i32
    %dma_wait3A_137 = tpu.memref_slice %arg7[%dma_wait3A_136] : memref<512xi32, #tpu.memory_space<vmem>> -> memref<128xi32, #tpu.memory_space<vmem>>
    %dma_wait3A_138 = arith.constant 0 : i32
    %dma_wait3A_139 = arith.constant 0 : i32
    %dma_wait3A_140 = tpu.memref_slice %arg3[%dma_wait3A_138, %dma_wait3A_139] : memref<1000000x32xf32, #tpu.memory_space<hbm>> -> memref<1000000x32xf32, #tpu.memory_space<hbm>>
    tpu.wait_indirect_dma semaphore(%arg13 : memref<!tpu.dma_semaphore, #tpu.memory_space<semaphore_mem>>) src(%dma_wait3A_140 : memref<1000000x32xf32, #tpu.memory_space<hbm>>) dst(%dma_wait3A_135 : memref<128x32xf32, #tpu.memory_space<vmem>>)
    %dma_wait3A_141 = arith.constant 128 : i32
    %dma_wait3A_142 = arith.constant 0 : i32
    %dma_wait3A_143 = tpu.memref_slice %arg11[%dma_wait3A_141, %dma_wait3A_142] : memref<512x32xf32, #tpu.memory_space<vmem>> -> memref<128x32xf32, #tpu.memory_space<vmem>>
    %dma_wait3A_144 = arith.constant 128 : i32
    %dma_wait3A_145 = tpu.memref_slice %arg8[%dma_wait3A_144] : memref<512xi32, #tpu.memory_space<vmem>> -> memref<128xi32, #tpu.memory_space<vmem>>
    %dma_wait3A_146 = arith.constant 0 : i32
    %dma_wait3A_147 = arith.constant 0 : i32
    %dma_wait3A_148 = tpu.memref_slice %arg4[%dma_wait3A_146, %dma_wait3A_147] : memref<1000000x32xf32, #tpu.memory_space<hbm>> -> memref<1000000x32xf32, #tpu.memory_space<hbm>>
    tpu.wait_indirect_dma semaphore(%arg13 : memref<!tpu.dma_semaphore, #tpu.memory_space<semaphore_mem>>) src(%dma_wait3A_148 : memref<1000000x32xf32, #tpu.memory_space<hbm>>) dst(%dma_wait3A_143 : memref<128x32xf32, #tpu.memory_space<vmem>>)
    %dma_wait3A_149 = arith.constant 256 : i32
    %dma_wait3A_150 = arith.constant 0 : i32
    %dma_wait3A_151 = tpu.memref_slice %arg9[%dma_wait3A_149, %dma_wait3A_150] : memref<512x32xf32, #tpu.memory_space<vmem>> -> memref<128x32xf32, #tpu.memory_space<vmem>>
    %dma_wait3A_152 = arith.constant 256 : i32
    %dma_wait3A_153 = tpu.memref_slice %arg6[%dma_wait3A_152] : memref<512xi32, #tpu.memory_space<vmem>> -> memref<128xi32, #tpu.memory_space<vmem>>
    %dma_wait3A_154 = arith.constant 0 : i32
    %dma_wait3A_155 = arith.constant 0 : i32
    %dma_wait3A_156 = tpu.memref_slice %arg3[%dma_wait3A_154, %dma_wait3A_155] : memref<1000000x32xf32, #tpu.memory_space<hbm>> -> memref<1000000x32xf32, #tpu.memory_space<hbm>>
    tpu.wait_indirect_dma semaphore(%arg13 : memref<!tpu.dma_semaphore, #tpu.memory_space<semaphore_mem>>) src(%dma_wait3A_156 : memref<1000000x32xf32, #tpu.memory_space<hbm>>) dst(%dma_wait3A_151 : memref<128x32xf32, #tpu.memory_space<vmem>>)
    %dma_wait3A_157 = arith.constant 256 : i32
    %dma_wait3A_158 = arith.constant 0 : i32
    %dma_wait3A_159 = tpu.memref_slice %arg10[%dma_wait3A_157, %dma_wait3A_158] : memref<512x32xf32, #tpu.memory_space<vmem>> -> memref<128x32xf32, #tpu.memory_space<vmem>>
    %dma_wait3A_160 = arith.constant 256 : i32
    %dma_wait3A_161 = tpu.memref_slice %arg7[%dma_wait3A_160] : memref<512xi32, #tpu.memory_space<vmem>> -> memref<128xi32, #tpu.memory_space<vmem>>
    %dma_wait3A_162 = arith.constant 0 : i32
    %dma_wait3A_163 = arith.constant 0 : i32
    %dma_wait3A_164 = tpu.memref_slice %arg3[%dma_wait3A_162, %dma_wait3A_163] : memref<1000000x32xf32, #tpu.memory_space<hbm>> -> memref<1000000x32xf32, #tpu.memory_space<hbm>>
    tpu.wait_indirect_dma semaphore(%arg13 : memref<!tpu.dma_semaphore, #tpu.memory_space<semaphore_mem>>) src(%dma_wait3A_164 : memref<1000000x32xf32, #tpu.memory_space<hbm>>) dst(%dma_wait3A_159 : memref<128x32xf32, #tpu.memory_space<vmem>>)
    %dma_wait3A_165 = arith.constant 256 : i32
    %dma_wait3A_166 = arith.constant 0 : i32
    %dma_wait3A_167 = tpu.memref_slice %arg11[%dma_wait3A_165, %dma_wait3A_166] : memref<512x32xf32, #tpu.memory_space<vmem>> -> memref<128x32xf32, #tpu.memory_space<vmem>>
    %dma_wait3A_168 = arith.constant 256 : i32
    %dma_wait3A_169 = tpu.memref_slice %arg8[%dma_wait3A_168] : memref<512xi32, #tpu.memory_space<vmem>> -> memref<128xi32, #tpu.memory_space<vmem>>
    %dma_wait3A_170 = arith.constant 0 : i32
    %dma_wait3A_171 = arith.constant 0 : i32
    %dma_wait3A_172 = tpu.memref_slice %arg4[%dma_wait3A_170, %dma_wait3A_171] : memref<1000000x32xf32, #tpu.memory_space<hbm>> -> memref<1000000x32xf32, #tpu.memory_space<hbm>>
    tpu.wait_indirect_dma semaphore(%arg13 : memref<!tpu.dma_semaphore, #tpu.memory_space<semaphore_mem>>) src(%dma_wait3A_172 : memref<1000000x32xf32, #tpu.memory_space<hbm>>) dst(%dma_wait3A_167 : memref<128x32xf32, #tpu.memory_space<vmem>>)
    %dma_wait3A_173 = arith.constant 384 : i32
    %dma_wait3A_174 = arith.constant 0 : i32
    %dma_wait3A_175 = tpu.memref_slice %arg9[%dma_wait3A_173, %dma_wait3A_174] : memref<512x32xf32, #tpu.memory_space<vmem>> -> memref<128x32xf32, #tpu.memory_space<vmem>>
    %dma_wait3A_176 = arith.constant 384 : i32
    %dma_wait3A_177 = tpu.memref_slice %arg6[%dma_wait3A_176] : memref<512xi32, #tpu.memory_space<vmem>> -> memref<128xi32, #tpu.memory_space<vmem>>
    %dma_wait3A_178 = arith.constant 0 : i32
    %dma_wait3A_179 = arith.constant 0 : i32
    %dma_wait3A_180 = tpu.memref_slice %arg3[%dma_wait3A_178, %dma_wait3A_179] : memref<1000000x32xf32, #tpu.memory_space<hbm>> -> memref<1000000x32xf32, #tpu.memory_space<hbm>>
    tpu.wait_indirect_dma semaphore(%arg13 : memref<!tpu.dma_semaphore, #tpu.memory_space<semaphore_mem>>) src(%dma_wait3A_180 : memref<1000000x32xf32, #tpu.memory_space<hbm>>) dst(%dma_wait3A_175 : memref<128x32xf32, #tpu.memory_space<vmem>>)
    %dma_wait3A_181 = arith.constant 384 : i32
    %dma_wait3A_182 = arith.constant 0 : i32
    %dma_wait3A_183 = tpu.memref_slice %arg10[%dma_wait3A_181, %dma_wait3A_182] : memref<512x32xf32, #tpu.memory_space<vmem>> -> memref<128x32xf32, #tpu.memory_space<vmem>>
    %dma_wait3A_184 = arith.constant 384 : i32
    %dma_wait3A_185 = tpu.memref_slice %arg7[%dma_wait3A_184] : memref<512xi32, #tpu.memory_space<vmem>> -> memref<128xi32, #tpu.memory_space<vmem>>
    %dma_wait3A_186 = arith.constant 0 : i32
    %dma_wait3A_187 = arith.constant 0 : i32
    %dma_wait3A_188 = tpu.memref_slice %arg3[%dma_wait3A_186, %dma_wait3A_187] : memref<1000000x32xf32, #tpu.memory_space<hbm>> -> memref<1000000x32xf32, #tpu.memory_space<hbm>>
    tpu.wait_indirect_dma semaphore(%arg13 : memref<!tpu.dma_semaphore, #tpu.memory_space<semaphore_mem>>) src(%dma_wait3A_188 : memref<1000000x32xf32, #tpu.memory_space<hbm>>) dst(%dma_wait3A_183 : memref<128x32xf32, #tpu.memory_space<vmem>>)
    %dma_wait3A_189 = arith.constant 384 : i32
    %dma_wait3A_190 = arith.constant 0 : i32
    %dma_wait3A_191 = tpu.memref_slice %arg11[%dma_wait3A_189, %dma_wait3A_190] : memref<512x32xf32, #tpu.memory_space<vmem>> -> memref<128x32xf32, #tpu.memory_space<vmem>>
    %dma_wait3A_192 = arith.constant 384 : i32
    %dma_wait3A_193 = tpu.memref_slice %arg8[%dma_wait3A_192] : memref<512xi32, #tpu.memory_space<vmem>> -> memref<128xi32, #tpu.memory_space<vmem>>
    %dma_wait3A_194 = arith.constant 0 : i32
    %dma_wait3A_195 = arith.constant 0 : i32
    %dma_wait3A_196 = tpu.memref_slice %arg4[%dma_wait3A_194, %dma_wait3A_195] : memref<1000000x32xf32, #tpu.memory_space<hbm>> -> memref<1000000x32xf32, #tpu.memory_space<hbm>>
    tpu.wait_indirect_dma semaphore(%arg13 : memref<!tpu.dma_semaphore, #tpu.memory_space<semaphore_mem>>) src(%dma_wait3A_196 : memref<1000000x32xf32, #tpu.memory_space<hbm>>) dst(%dma_wait3A_191 : memref<128x32xf32, #tpu.memory_space<vmem>>)
    %scan3A = arith.constant 0 : i32
    %scan3A_197 = arith.constant 0 : i32
    %scan3A_198 = arith.constant 32 : i32
    %scan3A_199 = arith.addi %scan3A_197, %scan3A_198 : i32
    %scan3A_200 = arith.constant 1 : i32
    scf.for %scan3A_202 = %scan3A_197 to %scan3A_199 step %scan3A_200  : i32 {
      %mul3A_203 = arith.constant 16 : i32
      %mul3A_204 = arith.muli %scan3A_202, %mul3A_203 : i32
      %iota3A = tpu.iota {dimensions = array<i32: 0>} : vector<16xi32>
      %add3A_205 = vector.broadcast %mul3A_204 : i32 to vector<16xi32>
      %add3A_206 = arith.addi %add3A_205, %iota3A : vector<16xi32>
      %broadcast_in_dim3A = arith.constant 0.000000e+00 : f32
      %broadcast_in_dim3A_207 = vector.broadcast %broadcast_in_dim3A : f32 to vector<16xf32>
      %scan3A_208 = arith.constant 0 : i32
      %scan3A_209 = arith.constant 32 : i32
      %scan3A_210 = arith.addi %scan3A_208, %scan3A_209 : i32
      %scan3A_211 = arith.constant 1 : i32
      %scan3A_212 = scf.for %scan3A_217 = %scan3A_208 to %scan3A_210 step %scan3A_211 iter_args(%scan3A_218 = %broadcast_in_dim3A_207) -> (vector<16xf32>)  : i32 {
        %broadcast_in_dim3A_219 = vector.broadcast %scan3A_217 : i32 to vector<16xi32>
        %gather3A = tpu.vector_load_idx %arg9[%add3A_206, %broadcast_in_dim3A_219] : memref<512x32xf32, #tpu.memory_space<vmem>>[vector<16xi32>, vector<16xi32>], vector<16xf32>,
        %gather3A_220 = tpu.vector_load_idx %arg10[%add3A_206, %broadcast_in_dim3A_219] : memref<512x32xf32, #tpu.memory_space<vmem>>[vector<16xi32>, vector<16xi32>], vector<16xf32>,
        %gather3A_221 = tpu.vector_load_idx %arg11[%add3A_206, %broadcast_in_dim3A_219] : memref<512x32xf32, #tpu.memory_space<vmem>>[vector<16xi32>, vector<16xi32>], vector<16xf32>,
        %mul3A_222 = arith.mulf %gather3A, %gather3A_221 : vector<16xf32>
        %mul3A_223 = arith.mulf %mul3A_222, %gather3A_220 : vector<16xf32>
        %add3A_224 = arith.addf %scan3A_218, %mul3A_223 : vector<16xf32>
        scf.yield %add3A_224 : vector<16xf32>
      }
      %scan3A_213 = arith.constant 32 : i32
      %mul3A_214 = arith.constant 16 : i32
      %mul3A_215 = arith.muli %scan3A_202, %mul3A_214 : i32
      %swap3A = arith.index_cast %mul3A_215 : i32 to index
      %swap3A_216 = tpu.vector_load %arg12[%swap3A] {strides = array<i32>} : memref<512xf32, #tpu.memory_space<vmem>>, vector<16xf32>,
      tpu.vector_store %arg12[%swap3A], %scan3A_212 {strides = array<i32>} : memref<512xf32, #tpu.memory_space<vmem>>, vector<16xf32>,
    }
    %scan3A_201 = arith.constant 32 : i32
    "tpu.region"() ({
      %run_scoped3A = tpu.sem_alloc : memref<!tpu.dma_semaphore, #tpu.memory_space<semaphore_mem>>
      %dma_start3A_202 = tpu.memref_slice %arg5[%mul3A_2] : memref<16384xf32, #tpu.memory_space<hbm>> -> memref<512xf32, #tpu.memory_space<hbm>>
      %dma_start3A_203 = tpu.memref_slice %arg5[%mul3A_2] : memref<16384xf32, #tpu.memory_space<hbm>> -> memref<512xf32, #tpu.memory_space<hbm>>
      tpu.enqueue_dma source(%arg12 : memref<512xf32, #tpu.memory_space<vmem>>) target(%dma_start3A_203 : memref<512xf32, #tpu.memory_space<hbm>>) target_semaphore(%run_scoped3A : memref<!tpu.dma_semaphore, #tpu.memory_space<semaphore_mem>>)
      %dma_wait3A_204 = tpu.memref_slice %arg5[%mul3A_2] : memref<16384xf32, #tpu.memory_space<hbm>> -> memref<512xf32, #tpu.memory_space<hbm>>
      %dma_wait3A_205 = tpu.memref_slice %arg5[%mul3A_2] : memref<16384xf32, #tpu.memory_space<hbm>> -> memref<512xf32, #tpu.memory_space<hbm>>
      tpu.wait_dma2 semaphore(%run_scoped3A : memref<!tpu.dma_semaphore, #tpu.memory_space<semaphore_mem>>) src(%arg12 : memref<512xf32, #tpu.memory_space<vmem>>) dst(%dma_wait3A_205 : memref<512xf32, #tpu.memory_space<hbm>>)
      tpu.yield
    }) : () -> ()
    return
  }
}

</mosaic_0001>

<sc_bundles>
// kernel: kernel.3.cloned.1.call-start
scs
__scs_entry_jumppad:
0x0: {  	(pc) =	sbr.rel $0x88, $3  }
0x1: {  	(tag) =	ssettag $0x0;
	lr =	simm.s32 $0x1  }
0x2: {  	[smem:$0x3F9E] =	sst lr;
	_ =	strace $0xD0000000  }
0x3: {  	_ = 	snop  }
0x4: {  	_ = 	snop  }
0x5: {  	_ = 	snop  }
0x6: {  	_ = 	snop  }
0x7: {  	_ = 	snop  }
__scs_overlays_trampoline_lowered:
0x8: {  	[smem:$0x3FAD] =	sst s0  }
0x9: {  	[smem:$0x3FAE] =	sst s1  }
0xa: {  	[smem:$0x3FAF] =	sst s2  }
0xb: {  	[smem:$0x3FB0] =	sst s3  }
0xc: {  	[smem:$0x3FB1] =	sst s4  }
0xd: {  	[smem:$0x3FB2] =	sst s5  }
0xe: {  	[smem:$0x3FB3] =	sst s6  }
0xf: {  	[smem:$0x3FB4] =	sst s7  }
0x10: {  	[smem:$0x3FB5] =	sst s8  }
0x11: {  	[smem:$0x3FB6] =	sst s9;
	s0 =	simm.s32 @!p0 $0x0  }
0x12: {  	s1 =	sld [smem:$0x3F9C];
	s0 =	simm.s32 @p0 $0x1  }
0x13: {  	[smem:$0x3FB7] =	sst s0;
	s0 =	simm.s32 @!p1 $0x0  }
0x14: {  	s2 =	sld [smem:$0x3F9B];
	s0 =	simm.s32 @p1 $0x1  }
0x15: {  	[smem:$0x3FB8] =	sst s0;
	s0 =	simm.s32 @!p2 $0x0  }
0x16: {  	s3 =	sld [smem:$0x3FDB];
	s0 =	simm.s32 @p2 $0x1  }
0x17: {  	s4 =	simm.s32 $0x1BF5;
	[smem:$0x3FBA] =	sst s0  }
0x18: {  	s0 =	sld [smem:$0x3F9D];
	_ =	swait.ge [sflag:s4], $0x0  }
0x19: {  	s7 =	sld [smem:$0x3F9E]  }
0x1a: {  	s8 =	sadd.s32 $0xFFFFE003, lr  }
0x1b: {  	s9 =	sadd.s32 $0xFFFFFEF7, lr;
	s5 =	simm.s32 $0xFFFFFFFF;
	p2 =	slt.u32 s8, $0xFFFFF086  }
0x1c: {  	p1 =	slt.u32 s9, $0xF7A;
	s5 =	simm.s32 @!p2 $0x0  }
0x1d: {  	s5 =	simm.s32 @p1 $0x1;
	p0 =	seq.s32 s7, s2  }
0x1e: {  	s7 =	smul.u32 @!p0 $0xF7A, s2;
	p2 =	seq.s32 @!p0 s5, $0x0  }
0x1f: {  	s9 =	smul.u32 $0xF7A, s1;
	s8 =	simm.s32 @!p0 $0x1BF5;
	p2 =	por !p2, p0  }
0x20: {  	[sflag:s8] =	ssyncset.s32 @!p0 $0xFFFFF086;
	s6 =	sadd.s32 @!p0 s3, s7;
	s7 =	simm.s32 @!p0 $0x108  }
0x21: {  	s3 =	sadd.s32 s3, s9;
	s6 =	sadd.s32 @!p0 $0x88, s6;
	s7 =	simm.s32 @p2 $0x1082  }
0x22: {  	[simem:s7], [sflag:s8] =	dma.local @!p0 [hbm:s6], $0xF7A  }
0x23: {  	s9 =	sor.u32 $0xD0000000, s2;
	s6 =	simm.s32 $0x108;
	_ =	swait.ge @!p0 [sflag:s8], $0x0  }
0x24: {  	s3 =	sadd.s32 $0x88, s3;
	s6 =	simm.s32 @!p1 $0x1082;
	[sflag:s4] =	ssyncset.s32 $0xFFFFF086  }
0x25: {  	[simem:s6], [sflag:s4] =	dma.local [hbm:s3], $0xF7A  }
0x26: {  	[smem:$0x3F9E] =	sst s1;
	(tag) =	ssettag s2;
	_ =	strace s9  }
0x27: {  	s1 =	sld [smem:$0x3FAE]  }
0x28: {  	s2 =	sld [smem:$0x3FAF]  }
0x29: {  	s4 =	sld [smem:$0x3FB1]  }
0x2a: {  	p0 =	seq.s32 s5, $0x0;
	s5 =	sld [smem:$0x3FB2]  }
0x2b: {  	s6 =	sld [smem:$0x3FB3]  }
0x2c: {  	s7 =	sld [smem:$0x3FB4]  }
0x2d: {  	s3 =	simm.s32 $0x108;
	s8 =	sld [smem:$0x3FB5]  }
0x2e: {  	s3 =	simm.s32 @!p0 $0x1082;
	s9 =	sld [smem:$0x3FB6]  }
0x2f: {  	lr =	sadd.s32 s0, s3;
	s0 =	sld [smem:$0x3FAD]  }
0x30: {  	s3 =	sld [smem:$0x3FB0]  }
0x31: {  	[smem:$0x3FB9] =	sst s10  }
0x32: {  	s10 =	sld [smem:$0x3FB7];
	_ =	sdelay $0x3  }
0x33: {  	p0 =	seq.s32 s10, $0x1;
	s10 =	sld [smem:$0x3FB9];
	_ =	sdelay $0x3  }
0x34: {  	[smem:$0x3FB9] =	sst s10  }
0x35: {  	s10 =	sld [smem:$0x3FB8];
	_ =	sdelay $0x3  }
0x36: {  	p1 =	seq.s32 s10, $0x1;
	s10 =	sld [smem:$0x3FB9];
	_ =	sdelay $0x3  }
0x37: {  	[smem:$0x3FB9] =	sst s10  }
0x38: {  	s10 =	sld [smem:$0x3FBA]  }
0x39: {  	_ = 	snop;
	(pc) =	sbr.ind lr, $3  }
0x3a: {  	_ = 	snop  }
0x3b: {  	_ = 	snop  }
0x3c: {  	p2 =	seq.s32 s10, $0x1;
	s10 =	sld [smem:$0x3FB9]  }
0x3d: {  	_ =	shalt  }
0x3e: {  	_ =	shalt  }
0x3f: {  	_ =	shalt  }
0x40: {  	_ =	shalt  }
0x41: {  	_ =	shalt  }
0x42: {  	_ =	shalt  }
0x43: {  	_ =	shalt  }
0x44: {  	_ =	shalt  }
0x45: {  	_ =	shalt  }
0x46: {  	_ =	shalt  }
0x47: {  	_ =	shalt  }
0x48: {  	_ =	shalt  }
0x49: {  	_ =	shalt  }
0x4a: {  	_ =	shalt  }
0x4b: {  	_ =	shalt  }
0x4c: {  	_ =	shalt  }
0x4d: {  	_ =	shalt  }
0x4e: {  	_ =	shalt  }
0x4f: {  	_ =	shalt  }
0x50: {  	_ =	shalt  }
0x51: {  	_ =	shalt  }
0x52: {  	_ =	shalt  }
0x53: {  	_ =	shalt  }
0x54: {  	_ =	shalt  }
0x55: {  	_ =	shalt  }
0x56: {  	_ =	shalt  }
0x57: {  	_ =	shalt  }
0x58: {  	_ =	shalt  }
0x59: {  	_ =	shalt  }
0x5a: {  	_ =	shalt  }
0x5b: {  	_ =	shalt  }
0x5c: {  	_ =	shalt  }
0x5d: {  	_ =	shalt  }
0x5e: {  	_ =	shalt  }
0x5f: {  	_ =	shalt  }
0x60: {  	_ =	shalt  }
0x61: {  	_ =	shalt  }
0x62: {  	_ =	shalt  }
0x63: {  	_ =	shalt  }
0x64: {  	_ =	shalt  }
0x65: {  	_ =	shalt  }
0x66: {  	_ =	shalt  }
0x67: {  	_ =	shalt  }
0x68: {  	_ =	shalt  }
0x69: {  	_ =	shalt  }
0x6a: {  	_ =	shalt  }
0x6b: {  	_ =	shalt  }
0x6c: {  	_ =	shalt  }
0x6d: {  	_ =	shalt  }
0x6e: {  	_ =	shalt  }
0x6f: {  	_ =	shalt  }
0x70: {  	_ =	shalt  }
0x71: {  	_ =	shalt  }
0x72: {  	_ =	shalt  }
0x73: {  	_ =	shalt  }
0x74: {  	_ =	shalt  }
0x75: {  	_ =	shalt  }
0x76: {  	_ =	shalt  }
0x77: {  	_ =	shalt  }
0x78: {  	_ =	shalt  }
0x79: {  	_ =	shalt  }
0x7a: {  	_ =	shalt  }
0x7b: {  	_ =	shalt  }
0x7c: {  	_ =	shalt  }
0x7d: {  	_ =	shalt  }
0x7e: {  	_ =	shalt  }
0x7f: {  	_ =	shalt  }
0x80: {  	_ =	shalt  }
0x81: {  	_ =	shalt  }
0x82: {  	_ =	shalt  }
0x83: {  	_ =	shalt  }
0x84: {  	_ =	shalt  }
0x85: {  	_ =	shalt  }
0x86: {  	_ =	shalt  }
0x87: {  	_ =	shalt  }
.Lfunc_end0:
.L_simem_size_0:
called_computation_lowered:
.L_overlay_start_0:
0x88: {  	s2 =	sld [smem:$0x3FD9]  }
0x89: {  	s3 =	sld [smem:$0x3FFE];
	_ =	sdelay $0x1  }
0x8a: {  	s1 =	srdreg.scid  }
0x8b: {  	s0 =	sand.u32 $0x1, s1  }
0x8c: {  	s17 =	sshll.u32 s0, $0xA;
	s2 =	sadd.s32 s3, s2  }
0x8d: {  	s2 =	sadd.s32 s2, s17  }
0x8e: {  	[smem:$0x3FC5] =	sst s2  }
0x8f: {  	_ = 	snop  }
0x90: {  	s2 =	sld [smem:$0x3FD0];
	(tm) =	ssettm $0x1  }
0x91: {  	s18 =	sld [smem:$0x3FFB];
	_ =	sdelay $0x3  }
0x92: {  	_ =	strace s18  }
0x93: {  	s3 =	sld [smem:$0x3FFC];
	_ =	sdelay $0x3  }
0x94: {  	_ =	strace s3  }
0x95: {  	s3 =	sld [smem:$0x3FFD];
	_ =	sdelay $0x3  }
0x96: {  	_ =	strace s3  }
0x97: {  	_ =	strace $0x8FFFFFFF  }
0x98: {  	s19 =	sld [smem:$0x3FDB];
	_ =	sdelay $0x1  }
0x99: {  	s4 =	simm.s32 $_scs_section_size  }
0x9a: {  	s5 =	simm.s32 $_size__tile_overlayer_lowered;
	s6 =	simm.s32 $_tile_overlayer_lowered  }
0x9b: {  	s22 =	simm.s32 $0x1BFF;
	s21 =	sshll.u32 s6, $0x1;
	s3 =	sadd.s32 s4, s19  }
0x9c: {  	s7 =	simm.s32 $0x0;
	s20 =	sshll.u32 s5, $0x1;
	s5 =	sadd.s32 s21, s3  }
0x9d: {  	[timem:s7], [sflag:s22] =	dma.local [hbm:s5], s20  }
0x9e: {  	_ =	swait.ge [sflag:s22], s20  }
0x9f: {  	s4 =	ssub.s32 $0x0, s20;
	[sflag:s22] =	ssyncset.done $0x0  }
0xa0: {  	[sflag:s22] =	ssyncadd.s32 s4;
	_ =	sdelay $0x1  }
0xa1: {  	s23 =	simm.s32 $0x1B8B  }
0xa2: {  	_ =	swait.ge [sflag:s23], $0x1  }
0xa3: {  	[sflag:s23] =	ssyncset.done $0x0  }
0xa4: {  	s25 =	simm.s32 $0x1B8E;
	s24 =	sld [smem:$0x3FFE];
	[sflag:s23] =	ssyncadd.s32 $0xFFFFFFFF  }
0xa5: {  	s26 =	simm.s32 $execute0_lowered;
	[smem:$0x3FD2] =	sst s25  }
0xa6: {  	s5 =	sshll.u32 s26, $0x1;
	_ =	strace $0x80000046;
	[dreg:$0x1] =	wrdreg $0xFFFFFFFF  }
0xa7: {  	s28 =	simm.s32 $_size_execute0_lowered;
	s3 =	sadd.s32 s3, s5;
	[dreg:$0x0] =	wrdreg $0x0  }
0xa8: {  	s5 =	sshll.u32 s28, $0x1;
	[dreg:$0x2] =	wrdreg s3  }
0xa9: {  	[dreg:$0x3] =	wrdreg s5  }
0xaa: {  	[dreg:$0x4] =	wrdreg $0xC0  }
0xab: {  	_ =	task [dreg:s7], $0x5FFFF  }
0xac: {  	[dreg:$0x1] =	wrdreg $0xFFFFFFFF  }
0xad: {  	[dreg:$0x0] =	wrdreg $0x60  }
0xae: {  	[dreg:$0x2] =	wrdreg s24  }
0xaf: {  	[dreg:$0x3] =	wrdreg s2  }
0xb0: {  	[dreg:$0x4] =	wrdreg $0x9  }
0xb1: {  	_ =	task.clear_ibuf [dreg:s7], $0x5FFFF;
	_ =	strace $0x90000046  }
0xb2: {  	s29 =	simm.s32 $0x9;
	_ =	strace $0x80000048  }
0xb3: {  	_ =	swait.ge [sflag:s29], $0x1  }
0xb4: {  	[sflag:s29] =	ssyncadd.s32 $0xFFFFFFFF  }
0xb5: {  	_ =	strace $0x90000048  }
0xb6: {  	_ =	sfence  }
0xb7: {  	s30 =	sld [smem:$0x0];
	_ =	sdelay $0x2  }
0xb8: {  	s31 =	sshll.u32 s1, $0xD;
	s1 =	sshrl.u32 s1, $0x2  }
0xb9: {  	s3 =	sand.u32 $0x4000, s31;
	s1 =	sadd.s32 s1, s30  }
0xba: {  	s0 =	sor.u32 s3, s0;
	s1 =	sshll.u32 s1, $0x11  }
0xbb: {  	s0 =	sor.u32 s1, s0  }
0xbc: {  	s0 =	sadd.s32 $0x8F2B, s0  }
0xbd: {  	[sflag:s0] =	ssyncadd.remote.s32 $0x1  }
0xbe: {  	_ =	sfence.sel $0xFFFF  }
0xbf: {  	[dreg:$0x0] =	wrdreg $0xFFFFFFFF;
	(pc) =	sbr.abs _section_cstart, $3  }
0xc0: {  	[dreg:$0x1] =	wrdreg $0xFFFFFFFF  }
0xc1: {  	_ =	task.clear_ibuf [dreg:s7], $0x2FFFF;
	_ =	strace $0x9FFFFFFF  }
0xc2: {  	(tm) =	ssettm $0x7FFFFFFF  }
0xc3: {  	_ =	shalt  }
tec
execute0_lowered:
.L_overlay_start_1:
0x0: {  	(tag) =	ssettag $0x1  }
0x1: {  	s0 =	rddreg [dreg:$0x0]  }
0x2: {  	s1 =	rddreg [dreg:$0x1];
	s2 =	srdreg.scid  }
0x3: {  	s4 =	stileid.u32;
	s10 =	simm.s32 $0x2;
	s11 =	simm.s32 $0x200  }
0x4: {  	s12 =	simm.s32 $0x400;
	s13 =	simm.s32 $0x80;
	s14 =	simm.s32 $0x600  }
0x5: {  	s15 =	simm.s32 $0x4600;
	s16 =	simm.s32 $0x8600;
	s24 =	simm.s32 $0x300  }
0x6: {  	s28 =	simm.s32 $0xA600;
	s29 =	simm.s32 $0x180;
	s30 =	simm.s32 $0x3600  }
0x7: {  	s31 =	simm.s32 $0x380;
	s17 =	simm.s32 $0xB600;
	s18 =	simm.s32 $0x1  }
0x8: {  	s19 =	simm.s32 $0xC600;
	s20 =	simm.s32 $0x0;
	s3 =	sand.u32 $0x1, s2  }
0x9: {  	s2 =	simm.s32 $0x0;
	s4 =	sshll.u32 s4, $0x7;
	s5 =	sshll.u32 s3, $0x6  }
0xa: {  	[smem:$0x7FF] =	sst s2;
	s25 =	ssub.s32 $0x2, s3;
	s3 =	sadd.s32 $0x1313400, s0  }
0xb: {  	s8 =	sor.u32 s5, s4;
	_ =	strace $0x80000047;
	s26 =	sshrl.u32 s25, $0x1  }
0xc: {  	s4 =	sadd.s32 $0xF42A00, s0;
	s7 =	sadd.s32 s8, s0;
	s0 =	ssub.s32 s25, s26  }
0xd: {  	s8 =	sadd.s32 s1, s8;
	s25 =	simm.s32 $0x6600;
	s26 =	simm.s32 $0x500  }
0xe: {  	v0 =	vlaneseq.u32;
	s1 =	simm.s32 $0x580;
	s5 =	sadd.s32 $0x600, s7;
	s6 =	sadd.s32 $0xE00, s7  }
0xf: {  	v0 =	vmul.u32 $0x20, v0;
	s7 =	sadd.s32 $0x1600, s7;
	s9 =	smax.u32 s0, $0x1;
	s0 =	simm.s32 $0x7600  }
.LBB2_1:
0x10: {  	[tilespmem:s2], [sflag:$0x2] =	stream.linear.gather [hbm4b:s5+s2], $0x200, $0x38;
	[tilespmem:$0xC800] =	vst v63  }
0x11: {  	_ =	swait.ge [sflag:s10], $0x200  }
0x12: {  	[sflag:s10] =	ssyncset.done $0x0  }
0x13: {  	[sflag:s10] =	ssyncadd.s32 $0xFFFFFE00  }
0x14: {  	[tilespmem:s11], [sflag:$0x2] =	stream.linear.gather [hbm4b:s6+s2], $0x200, $0x38;
	[tilespmem:$0xC800] =	vst v63  }
0x15: {  	_ =	swait.ge [sflag:s10], $0x200  }
0x16: {  	[sflag:s10] =	ssyncset.done $0x0  }
0x17: {  	[sflag:s10] =	ssyncadd.s32 $0xFFFFFE00  }
0x18: {  	[tilespmem:s12], [sflag:$0x2] =	stream.linear.gather [hbm4b:s7+s2], $0x200, $0x38;
	[tilespmem:$0xC800] =	vst v63  }
0x19: {  	_ =	swait.ge [sflag:s10], $0x200  }
0x1a: {  	[sflag:s10] =	ssyncset.done $0x0  }
0x1b: {  	[sflag:s10] =	ssyncadd.s32 $0xFFFFFE00  }
0x1c: {  	[tilespmem:s14], [sflag:$0x1] =	stream.indirect.gather [hbm4b:s3+s13], $0x20, s2, s13, $0xb8;
	[tilespmem:$0xC800] =	vst v63  }
0x1d: {  	_ = 	snop  }
0x1e: {  	[tilespmem:s15], [sflag:$0x1] =	stream.indirect.gather [hbm4b:s3+s13], $0x20, s11, s13, $0xb8;
	[tilespmem:$0xC800] =	vst v63  }
0x1f: {  	_ = 	snop  }
0x20: {  	[tilespmem:s16], [sflag:$0x1] =	stream.indirect.gather [hbm4b:s4+s13], $0x20, s12, s13, $0xb8;
	[tilespmem:$0xC800] =	vst v63  }
0x21: {  	s21 =	simm.s32 $0x1600  }
0x22: {  	[tilespmem:s21], [sflag:$0x1] =	stream.indirect.gather [hbm4b:s3+s13], $0x20, s13, s13, $0xb8;
	[tilespmem:$0xC800] =	vst v63  }
0x23: {  	s23 =	simm.s32 $0x280;
	s22 =	simm.s32 $0x5600  }
0x24: {  	[tilespmem:s22], [sflag:$0x1] =	stream.indirect.gather [hbm4b:s3+s13], $0x20, s23, s13, $0xb8;
	[tilespmem:$0xC800] =	vst v63  }
0x25: {  	s22 =	simm.s32 $0x480;
	s23 =	simm.s32 $0x9600  }
0x26: {  	[tilespmem:s23], [sflag:$0x1] =	stream.indirect.gather [hbm4b:s4+s13], $0x20, s22, s13, $0xb8;
	[tilespmem:$0xC800] =	vst v63  }
0x27: {  	s22 =	simm.s32 $0x100;
	s23 =	simm.s32 $0x2600  }
0x28: {  	[tilespmem:s23], [sflag:$0x1] =	stream.indirect.gather [hbm4b:s3+s13], $0x20, s22, s13, $0xb8;
	[tilespmem:$0xC800] =	vst v63  }
0x29: {  	_ = 	snop  }
0x2a: {  	[tilespmem:s25], [sflag:$0x1] =	stream.indirect.gather [hbm4b:s3+s13], $0x20, s24, s13, $0xb8;
	[tilespmem:$0xC800] =	vst v63  }
0x2b: {  	_ = 	snop  }
0x2c: {  	[tilespmem:s28], [sflag:$0x1] =	stream.indirect.gather [hbm4b:s4+s13], $0x20, s26, s13, $0xb8;
	[tilespmem:$0xC800] =	vst v63  }
0x2d: {  	_ = 	snop  }
0x2e: {  	[tilespmem:s30], [sflag:$0x1] =	stream.indirect.gather [hbm4b:s3+s13], $0x20, s29, s13, $0xb8;
	[tilespmem:$0xC800] =	vst v63  }
0x2f: {  	_ = 	snop  }
0x30: {  	[tilespmem:s0], [sflag:$0x1] =	stream.indirect.gather [hbm4b:s3+s13], $0x20, s31, s13, $0xb8;
	[tilespmem:$0xC800] =	vst v63  }
0x31: {  	_ = 	snop  }
0x32: {  	[tilespmem:s17], [sflag:$0x1] =	stream.indirect.gather [hbm4b:s4+s13], $0x20, s1, s13, $0xb8;
	[tilespmem:$0xC800] =	vst v63  }
0x33: {  	_ =	swait.ge [sflag:s18], $0x1000  }
0x34: {  	[sflag:s18] =	ssyncset.done $0x0  }
0x35: {  	[sflag:s18] =	ssyncadd.s32 $0xFFFFF000  }
0x36: {  	_ =	swait.ge [sflag:s18], $0x1000  }
0x37: {  	[sflag:s18] =	ssyncset.done $0x0  }
0x38: {  	[sflag:s18] =	ssyncadd.s32 $0xFFFFF000  }
0x39: {  	_ =	swait.ge [sflag:s18], $0x1000  }
0x3a: {  	[sflag:s18] =	ssyncset.done $0x0  }
0x3b: {  	[sflag:s18] =	ssyncadd.s32 $0xFFFFF000  }
0x3c: {  	_ =	swait.ge [sflag:s18], $0x1000  }
0x3d: {  	[sflag:s18] =	ssyncset.done $0x0  }
0x3e: {  	[sflag:s18] =	ssyncadd.s32 $0xFFFFF000  }
0x3f: {  	_ =	swait.ge [sflag:s18], $0x1000  }
0x40: {  	[sflag:s18] =	ssyncset.done $0x0  }
0x41: {  	[sflag:s18] =	ssyncadd.s32 $0xFFFFF000  }
0x42: {  	_ =	swait.ge [sflag:s18], $0x1000  }
0x43: {  	[sflag:s18] =	ssyncset.done $0x0  }
0x44: {  	[sflag:s18] =	ssyncadd.s32 $0xFFFFF000  }
0x45: {  	_ =	swait.ge [sflag:s18], $0x1000  }
0x46: {  	[sflag:s18] =	ssyncset.done $0x0  }
0x47: {  	[sflag:s18] =	ssyncadd.s32 $0xFFFFF000  }
0x48: {  	_ =	swait.ge [sflag:s18], $0x1000  }
0x49: {  	[sflag:s18] =	ssyncset.done $0x0  }
0x4a: {  	[sflag:s18] =	ssyncadd.s32 $0xFFFFF000  }
0x4b: {  	_ =	swait.ge [sflag:s18], $0x1000  }
0x4c: {  	[sflag:s18] =	ssyncset.done $0x0  }
0x4d: {  	[sflag:s18] =	ssyncadd.s32 $0xFFFFF000  }
0x4e: {  	_ =	swait.ge [sflag:s18], $0x1000  }
0x4f: {  	[sflag:s18] =	ssyncset.done $0x0  }
0x50: {  	[sflag:s18] =	ssyncadd.s32 $0xFFFFF000  }
0x51: {  	_ =	swait.ge [sflag:s18], $0x1000  }
0x52: {  	[sflag:s18] =	ssyncset.done $0x0  }
0x53: {  	[sflag:s18] =	ssyncadd.s32 $0xFFFFF000  }
0x54: {  	_ =	swait.ge [sflag:s18], $0x1000  }
0x55: {  	[sflag:s18] =	ssyncset.done $0x0  }
0x56: {  	s21 =	simm.s32 $0x0;
	[sflag:s18] =	ssyncadd.s32 $0xFFFFF000  }
.LBB2_2:
0x57: {  	s23 =	simm.s32 $0x0  }
0x58: {  	s22 =	sshll.u32 s21, $0x4;
	v1 =	vmov s23  }
0x59: {  	v2 =	vmov s22;
	v1 =	vand.u32 $0x1F, v1  }
0x5a: {  	v2 =	vshll.u32 v2, $0x5;
	v3 =	vbroadcast v1, $0x0  }
0x5b: {  	v1 =	vor.u32 v0, v2  }
0x5c: {  	s23 =	simm.s32 $0x1;
	v3 =	vor.u32 v1, v3  }
0x5d: {  	v2 =	vmov s23  }
0x5e: {  	v2 =	vand.u32 $0x1F, v2  }
0x5f: {  	v2 =	vbroadcast v2, $0x0;
	_ =	sdelay $0x1  }
0x60: {  	v2 =	vor.u32 v1, v2;
	v8 =	vld.idx.msk [tilespmem:v3+s14+$0x0], $0xffff  }
0x61: {  	s23 =	simm.s32 $0x2;
	v9 =	vld.idx.msk [tilespmem:v3+s16+$0x0], $0xffff  }
0x62: {  	v4 =	vmov s23  }
0x63: {  	v4 =	vand.u32 $0x1F, v4;
	v3 =	vld.idx.msk [tilespmem:v3+s15+$0x0], $0xffff  }
0x64: {  	v6 =	vbroadcast v4, $0x0  }
0x65: {  	v5 =	vld.idx.msk [tilespmem:v2+s14+$0x0], $0xffff  }
0x66: {  	s23 =	simm.s32 $0x3;
	v4 =	vimm.f32 $0.0e+00;
	v7 =	vor.u32 v1, v6;
	v6 =	vld.idx.msk [tilespmem:v2+s16+$0x0], $0xffff;
	v8 =	vmul.f32 v9, v8  }
.LBB2_3:
0x67: {  	p0 =	sne.s32 s23, $0x1F  }
.Ltmp0:
0x68: {  	v9 =	vmov s23;
	v10 =	vmul.f32 v8, v3;
	v3 =	vld.idx.msk [tilespmem:v2+s15+$0x0], $0xffff;
	v2 =	vmov v7;
	(pc) =	sbr.rel @p0 .LBB2_3-.Ltmp0, $4  }
0x69: {  	s23 =	sadd.s32 $0x1, s23;
	v9 =	vand.u32 $0x1F, v9  }
0x6a: {  	v9 =	vbroadcast v9, $0x0;
	v4 =	vadd.f32 v10, v4  }
0x6b: {  	v8 =	vmov v5;
	v5 =	vld.idx.msk [tilespmem:v7+s14+$0x0], $0xffff  }
0x6c: {  	v8 =	vmul.f32 v6, v8;
	v6 =	vld.idx.msk [tilespmem:v7+s16+$0x0], $0xffff;
	v7 =	vor.u32 v1, v9  }
0x6d: {  	_ =	sdelay $0x3  }
0x6e: {  	v1 =	vld.idx.msk [tilespmem:v2+s15+$0x0], $0xffff  }
0x6f: {  	v2 =	vld.idx.msk [tilespmem:v7+s14+$0x0], $0xffff  }
0x70: {  	v9 =	vld.idx.msk [tilespmem:v7+s16+$0x0], $0xffff;
	_ =	sdelay $0x1  }
0x71: {  	v63 =	vld.idx.msk [tilespmem:v7+s15+$0x0], $0xffff  }
0x72: {  	v3 =	vmul.f32 v8, v3;
	v5 =	vmul.f32 v6, v5;
	_ =	sdelay $0x1  }
0x73: {  	s21 =	sadd.s32 $0x1, s21;
	v3 =	vadd.f32 v3, v4;
	v2 =	vmul.f32 v9, v2;
	v1 =	vmul.f32 v5, v1  }
0x74: {  	p0 =	sne.s32 s21, $0x20  }
.Ltmp1:
0x75: {  	v2 =	vmul.f32 v2, v63;
	v1 =	vadd.f32 v1, v3;
	(pc) =	sbr.rel @p0 .LBB2_2-.Ltmp1, $3  }
0x76: {  	_ = 	snop  }
0x77: {  	v1 =	vadd.f32 v2, v1;
	_ =	sdelay $0x1  }
0x78: {  	[tilespmem:s22+$0xC600] =	vst v1  }
0x79: {  	s20 =	sadd.s32 $0x1, s20  }
0x7a: {  	p0 =	sne.s32 s20, s9  }
.Ltmp2:
0x7b: {  	_ = 	snop;
	(pc) =	sbr.rel @p0 .LBB2_1-.Ltmp2, $4  }
0x7c: {  	[hbm4b:s8+s2] =	stream.linear.scatter [tilespmem:s19], [sflag:$0x2], $0x200, $0x38;
	[tilespmem:$0xC800] =	vst v63  }
0x7d: {  	_ =	swait.ge [sflag:s10], $0x200  }
0x7e: {  	[sflag:s10] =	ssyncset.done $0x0  }
0x7f: {  	[sflag:s10] =	ssyncadd.s32 $0xFFFFFE00  }
0x80: {  	_ =	sfence.sel $0x180000  }
0x81: {  	[bflag:$0x0] =	sbarrier.arrive $0xFFFF  }
0x82: {  	_ =	strace $0x90000047  }
0x83: {  	s0 =	stileid.u32;
	[bflag:$0x2] =	sbarrier.arrive $0xFFFF  }
0x84: {  	p0 =	sne.s32 s0, $0x0;
	s0 =	rddreg [dreg:$0x2]  }
0x85: {  	s0 =	sadd.s32 @!p0 $0x100000, s0  }
0x86: {  	[sflag:s0] =	ssyncadd.tile.s32 @!p0 $0x1;
	_ =	shalt  }
.Lfunc_end2:
_tile_overlayer_lowered:
.L_overlay_start_2:
0x87: {  	(tag) =	ssettag $0x2  }
0x88: {  	s0 =	rddreg [dreg:$0x0];
	s2 =	stileid.u32  }
0x89: {  	s1 =	rddreg [dreg:$0x1];
	p0 =	sne.s32 s2, $0x0  }
0x8a: {  	s3 =	rddreg [dreg:$0x2];
	[bflag:$0x3] =	sbarrier.arrive $0xFFFF;
	s2 =	simm.s32 @!p0 $0x1C02  }
0x8b: {  	[timem:s3], [sflag:s2] =	dma.local @!p0 [hbm:s0], s1  }
0x8c: {  	s0 =	simm.s32 @!p0 $0x2  }
0x8d: {  	_ =	swait.ge @!p0 [sflag:s0], s1  }
0x8e: {  	s1 =	ssub.s32 @!p0 $0x0, s1;
	[sflag:s0] =	ssyncset.done @!p0 $0x0  }
0x8f: {  	[sflag:s0] =	ssyncadd.s32 @!p0 s1  }
0x90: {  	[bflag:$0x3] =	sbarrier.arrive $0xFFFF  }
0x91: {  	_ =	shalt  }

</sc_bundles>
